<compile_context>
chip_gen: v7x
topology: tpu7x:2x2x1
jax: 0.10.2.dev20260603
libtpu: 0.0.44.dev20260713+nightly
codegen_flags: <defaults>
</compile_context>

<pallas_src>
import functools

import jax
import jax.numpy as jnp
from jax import lax
from jax.experimental import pallas as pl
from jax.experimental.pallas import tpu as pltpu
from jax.experimental.pallas import tpu_sc as plsc

BATCH_ = 16384
CLASSES_ = 1000
TC_ROWS = 10240
SC_ROWS = BATCH_ - TC_ROWS
NW = 32
ROWS_PER_TILE = SC_ROWS // NW
CHUNK_ROWS = 64
NUM_CHUNKS = ROWS_PER_TILE // CHUNK_ROWS
TC_BLOCK = 2048
TC_NBLOCKS = TC_ROWS // TC_BLOCK


def _tc_probe(x_ref, out_ref):
    i = pl.program_id(0)

    @pl.when(i == 0)
    def _init():
        out_ref[...] = jnp.zeros_like(out_ref)

    out_ref[...] += jnp.reshape(jnp.sum(x_ref[...]), (1, 1))


def _sc_probe(logits_hbm, out_hbm, buf0, buf1, sem0, sem1):
    wid = lax.axis_index("s") * 2 + lax.axis_index("c")
    base = TC_ROWS + wid * ROWS_PER_TILE
    bufs = (buf0, buf1)
    sems = (sem0, sem1)
    for c in range(2):
        pltpu.make_async_copy(
            logits_hbm.at[pl.ds(base + c * CHUNK_ROWS, CHUNK_ROWS)],
            bufs[c], sems[c]).start()
    for c in range(NUM_CHUNKS):
        pltpu.make_async_copy(
            logits_hbm.at[pl.ds(base + c * CHUNK_ROWS, CHUNK_ROWS)],
            bufs[c % 2], sems[c % 2]).wait()
        if c + 2 < NUM_CHUNKS:
            pltpu.make_async_copy(
                logits_hbm.at[pl.ds(base + (c + 2) * CHUNK_ROWS, CHUNK_ROWS)],
                bufs[c % 2], sems[c % 2]).start()
    pltpu.sync_copy(buf0.at[0, pl.ds(0, 16)], out_hbm.at[wid])


def kernel(logits, labels):
    mesh = plsc.VectorSubcoreMesh(core_axis_name="c", subcore_axis_name="s")
    sc_probe = functools.partial(
        pl.kernel,
        out_type=jax.ShapeDtypeStruct((NW, 16), jnp.float32),
        mesh=mesh,
        scratch_types=[
            pltpu.VMEM((CHUNK_ROWS, CLASSES_), jnp.float32),
            pltpu.VMEM((CHUNK_ROWS, CLASSES_), jnp.float32),
            pltpu.SemaphoreType.DMA,
            pltpu.SemaphoreType.DMA,
        ],
    )(_sc_probe)
    sc_out = sc_probe(logits)
    tc_out = pl.pallas_call(
        _tc_probe,
        grid=(TC_NBLOCKS,),
        in_specs=[pl.BlockSpec((TC_BLOCK, CLASSES_), lambda i: (i, 0))],
        out_specs=pl.BlockSpec((1, 1), lambda i: (0, 0)),
        out_shape=jax.ShapeDtypeStruct((1, 1), jnp.float32),
    )(logits)
    return (tc_out[0, 0] + jnp.sum(sc_out)) * 0.0 + labels[0].astype(jnp.float32) * 0.0

# --- scband reference (transcript-rebuilt; emitter-appended) ---
"""Pipeline reference for scband-hard-sample-mining-loss-22393959481613 (READ-ONLY COPY).

The authoritative reference and input builder live on the scoring server;
editing this copy changes nothing except your own understanding.
"""

import jax, jax.numpy as jnp
import numpy as np

BATCH = 16384
NUM_CLASSES = 1000
MINING_RATIO = 0.3


def setup_inputs(seed: int = 0) -> dict:
    key = jax.random.key(seed)
    k1, k2 = jax.random.split(key)
    logits = jax.random.normal(k1, (BATCH, NUM_CLASSES), dtype=jnp.float32)
    labels = jax.random.randint(k2, (BATCH,), 0, NUM_CLASSES, dtype=jnp.int32)
    return {"logits": logits, "labels": labels}


def reference(logits, labels):
    # per-sample cross entropy (reduction='none')
    log_probs = jax.nn.log_softmax(logits, axis=1)
    losses = -jnp.take_along_axis(log_probs, labels[:, None], axis=1).squeeze(1)
    # confidence = prob of the true class
    probs = jax.nn.softmax(logits, axis=1)
    confidence = jnp.take_along_axis(probs, labels[:, None], axis=1).squeeze(1)
    batch_size = logits.shape[0]
    num_hard = int(batch_size * MINING_RATIO)
    # lowest-confidence samples are the hard ones
    hard_indices = jnp.argsort(confidence)[:num_hard]
    weighted_losses = losses.at[hard_indices].multiply(2.0)
    return weighted_losses.mean()

if __name__ == "__main__":
    import jax
    _d = setup_inputs()
    print(jax.jit(kernel)(*tuple(_d.values())))

</pallas_src>

<mosaic_0001>
#map = affine_map<(d0, d1) -> (0, 0)>
module attributes {stable_mosaic.version = 14 : i64} {
  func.func @_sc_probe(%arg0: i32, %arg1: i32, %arg2: memref<16384x1000xf32, #tpu.memory_space<hbm>>, %arg3: memref<32x16xf32, #tpu.memory_space<hbm>>, %arg4: memref<64x1000xf32, #tpu.memory_space<vmem>>, %arg5: memref<64x1000xf32, #tpu.memory_space<vmem>>, %arg6: memref<!tpu.dma_semaphore, #tpu.memory_space<semaphore_mem>>, %arg7: memref<!tpu.dma_semaphore, #tpu.memory_space<semaphore_mem>>) attributes {dimension_semantics = [#tpu.dimension_semantics<core_parallel>, #tpu.dimension_semantics<subcore_parallel>], iteration_bounds = array<i64: 2, 16>, scalar_prefetch = 0 : i64, scratch_operands = 4 : i64, tpu.core_type = #tpu.core_type<sc_vector_subcore>, window_params = [{transform_indices = #map}, {transform_indices = #map}]} {
    %mul3A = arith.constant 2 : i32
    %mul3A_0 = arith.muli %arg1, %mul3A : i32
    %add3A = arith.addi %mul3A_0, %arg0 : i32
    %mul3A_1 = arith.constant 192 : i32
    %mul3A_2 = arith.muli %add3A, %mul3A_1 : i32
    %add3A_3 = arith.constant 10240 : i32
    %add3A_4 = arith.addi %add3A_3, %mul3A_2 : i32
    %add3A_5 = arith.constant 0 : i32
    %add3A_6 = arith.addi %add3A_4, %add3A_5 : i32
    %dma_start3A = arith.constant 0 : i32
    %dma_start3A_7 = tpu.memref_slice %arg2[%add3A_6, %dma_start3A] : memref<16384x1000xf32, #tpu.memory_space<hbm>> -> memref<64x1000xf32, #tpu.memory_space<hbm>>
    %dma_start3A_8 = arith.constant 0 : i32
    %dma_start3A_9 = tpu.memref_slice %arg2[%add3A_6, %dma_start3A_8] : memref<16384x1000xf32, #tpu.memory_space<hbm>> -> memref<64x1000xf32, #tpu.memory_space<hbm>>
    tpu.enqueue_dma source(%dma_start3A_9 : memref<64x1000xf32, #tpu.memory_space<hbm>>) target(%arg4 : memref<64x1000xf32, #tpu.memory_space<vmem>>) target_semaphore(%arg6 : memref<!tpu.dma_semaphore, #tpu.memory_space<semaphore_mem>>)
    %add3A_10 = arith.constant 64 : i32
    %add3A_11 = arith.addi %add3A_4, %add3A_10 : i32
    %dma_start3A_12 = arith.constant 0 : i32
    %dma_start3A_13 = tpu.memref_slice %arg2[%add3A_11, %dma_start3A_12] : memref<16384x1000xf32, #tpu.memory_space<hbm>> -> memref<64x1000xf32, #tpu.memory_space<hbm>>
    %dma_start3A_14 = arith.constant 0 : i32
    %dma_start3A_15 = tpu.memref_slice %arg2[%add3A_11, %dma_start3A_14] : memref<16384x1000xf32, #tpu.memory_space<hbm>> -> memref<64x1000xf32, #tpu.memory_space<hbm>>
    tpu.enqueue_dma source(%dma_start3A_15 : memref<64x1000xf32, #tpu.memory_space<hbm>>) target(%arg5 : memref<64x1000xf32, #tpu.memory_space<vmem>>) target_semaphore(%arg7 : memref<!tpu.dma_semaphore, #tpu.memory_space<semaphore_mem>>)
    %add3A_16 = arith.constant 0 : i32
    %add3A_17 = arith.addi %add3A_4, %add3A_16 : i32
    %dma_wait3A = arith.constant 0 : i32
    %dma_wait3A_18 = tpu.memref_slice %arg2[%add3A_17, %dma_wait3A] : memref<16384x1000xf32, #tpu.memory_space<hbm>> -> memref<64x1000xf32, #tpu.memory_space<hbm>>
    %dma_wait3A_19 = arith.constant 0 : i32
    %dma_wait3A_20 = tpu.memref_slice %arg2[%add3A_17, %dma_wait3A_19] : memref<16384x1000xf32, #tpu.memory_space<hbm>> -> memref<64x1000xf32, #tpu.memory_space<hbm>>
    tpu.wait_dma2 semaphore(%arg6 : memref<!tpu.dma_semaphore, #tpu.memory_space<semaphore_mem>>) src(%dma_wait3A_20 : memref<64x1000xf32, #tpu.memory_space<hbm>>) dst(%arg4 : memref<64x1000xf32, #tpu.memory_space<vmem>>)
    %add3A_21 = arith.constant 128 : i32
    %add3A_22 = arith.addi %add3A_4, %add3A_21 : i32
    %dma_start3A_23 = arith.constant 0 : i32
    %dma_start3A_24 = tpu.memref_slice %arg2[%add3A_22, %dma_start3A_23] : memref<16384x1000xf32, #tpu.memory_space<hbm>> -> memref<64x1000xf32, #tpu.memory_space<hbm>>
    %dma_start3A_25 = arith.constant 0 : i32
    %dma_start3A_26 = tpu.memref_slice %arg2[%add3A_22, %dma_start3A_25] : memref<16384x1000xf32, #tpu.memory_space<hbm>> -> memref<64x1000xf32, #tpu.memory_space<hbm>>
    tpu.enqueue_dma source(%dma_start3A_26 : memref<64x1000xf32, #tpu.memory_space<hbm>>) target(%arg4 : memref<64x1000xf32, #tpu.memory_space<vmem>>) target_semaphore(%arg6 : memref<!tpu.dma_semaphore, #tpu.memory_space<semaphore_mem>>)
    %add3A_27 = arith.constant 64 : i32
    %add3A_28 = arith.addi %add3A_4, %add3A_27 : i32
    %dma_wait3A_29 = arith.constant 0 : i32
    %dma_wait3A_30 = tpu.memref_slice %arg2[%add3A_28, %dma_wait3A_29] : memref<16384x1000xf32, #tpu.memory_space<hbm>> -> memref<64x1000xf32, #tpu.memory_space<hbm>>
    %dma_wait3A_31 = arith.constant 0 : i32
    %dma_wait3A_32 = tpu.memref_slice %arg2[%add3A_28, %dma_wait3A_31] : memref<16384x1000xf32, #tpu.memory_space<hbm>> -> memref<64x1000xf32, #tpu.memory_space<hbm>>
    tpu.wait_dma2 semaphore(%arg7 : memref<!tpu.dma_semaphore, #tpu.memory_space<semaphore_mem>>) src(%dma_wait3A_32 : memref<64x1000xf32, #tpu.memory_space<hbm>>) dst(%arg5 : memref<64x1000xf32, #tpu.memory_space<vmem>>)
    %add3A_33 = arith.constant 128 : i32
    %add3A_34 = arith.addi %add3A_4, %add3A_33 : i32
    %dma_wait3A_35 = arith.constant 0 : i32
    %dma_wait3A_36 = tpu.memref_slice %arg2[%add3A_34, %dma_wait3A_35] : memref<16384x1000xf32, #tpu.memory_space<hbm>> -> memref<64x1000xf32, #tpu.memory_space<hbm>>
    %dma_wait3A_37 = arith.constant 0 : i32
    %dma_wait3A_38 = tpu.memref_slice %arg2[%add3A_34, %dma_wait3A_37] : memref<16384x1000xf32, #tpu.memory_space<hbm>> -> memref<64x1000xf32, #tpu.memory_space<hbm>>
    tpu.wait_dma2 semaphore(%arg6 : memref<!tpu.dma_semaphore, #tpu.memory_space<semaphore_mem>>) src(%dma_wait3A_38 : memref<64x1000xf32, #tpu.memory_space<hbm>>) dst(%arg4 : memref<64x1000xf32, #tpu.memory_space<vmem>>)
    %run_scoped3A = arith.constant 0 : i32
    "tpu.region"() ({
      %run_scoped3A_39 = tpu.sem_alloc : memref<!tpu.dma_semaphore, #tpu.memory_space<semaphore_mem>>
      %dma_start3A_40 = arith.constant 0 : i32
      %dma_start3A_41 = tpu.memref_slice %arg4[%run_scoped3A, %dma_start3A_40] : memref<64x1000xf32, #tpu.memory_space<vmem>> -> memref<1x16xf32, #tpu.memory_space<vmem>>
      %dma_start3A_42 = tpu.memref_squeeze %dma_start3A_41 : memref<1x16xf32, #tpu.memory_space<vmem>> -> memref<16xf32, #tpu.memory_space<vmem>>
      %dma_start3A_43 = arith.constant 0 : i32
      %dma_start3A_44 = tpu.memref_slice %arg3[%add3A, %dma_start3A_43] : memref<32x16xf32, #tpu.memory_space<hbm>> -> memref<1x16xf32, #tpu.memory_space<hbm>>
      %dma_start3A_45 = tpu.memref_squeeze %dma_start3A_44 : memref<1x16xf32, #tpu.memory_space<hbm>> -> memref<16xf32, #tpu.memory_space<hbm>>
      %dma_start3A_46 = arith.constant 0 : i32
      %dma_start3A_47 = tpu.memref_slice %arg3[%add3A, %dma_start3A_46] : memref<32x16xf32, #tpu.memory_space<hbm>> -> memref<1x16xf32, #tpu.memory_space<hbm>>
      %dma_start3A_48 = tpu.memref_squeeze %dma_start3A_47 : memref<1x16xf32, #tpu.memory_space<hbm>> -> memref<16xf32, #tpu.memory_space<hbm>>
      %dma_start3A_49 = arith.constant 0 : i32
      %dma_start3A_50 = tpu.memref_slice %arg4[%run_scoped3A, %dma_start3A_49] : memref<64x1000xf32, #tpu.memory_space<vmem>> -> memref<1x16xf32, #tpu.memory_space<vmem>>
      %dma_start3A_51 = tpu.memref_squeeze %dma_start3A_50 : memref<1x16xf32, #tpu.memory_space<vmem>> -> memref<16xf32, #tpu.memory_space<vmem>>
      tpu.enqueue_dma source(%dma_start3A_51 : memref<16xf32, #tpu.memory_space<vmem>>) target(%dma_start3A_48 : memref<16xf32, #tpu.memory_space<hbm>>) target_semaphore(%run_scoped3A_39 : memref<!tpu.dma_semaphore, #tpu.memory_space<semaphore_mem>>)
      %dma_wait3A_52 = arith.constant 0 : i32
      %dma_wait3A_53 = tpu.memref_slice %arg4[%run_scoped3A, %dma_wait3A_52] : memref<64x1000xf32, #tpu.memory_space<vmem>> -> memref<1x16xf32, #tpu.memory_space<vmem>>
      %dma_wait3A_54 = tpu.memref_squeeze %dma_wait3A_53 : memref<1x16xf32, #tpu.memory_space<vmem>> -> memref<16xf32, #tpu.memory_space<vmem>>
      %dma_wait3A_55 = arith.constant 0 : i32
      %dma_wait3A_56 = tpu.memref_slice %arg3[%add3A, %dma_wait3A_55] : memref<32x16xf32, #tpu.memory_space<hbm>> -> memref<1x16xf32, #tpu.memory_space<hbm>>
      %dma_wait3A_57 = tpu.memref_squeeze %dma_wait3A_56 : memref<1x16xf32, #tpu.memory_space<hbm>> -> memref<16xf32, #tpu.memory_space<hbm>>
      %dma_wait3A_58 = arith.constant 0 : i32
      %dma_wait3A_59 = tpu.memref_slice %arg3[%add3A, %dma_wait3A_58] : memref<32x16xf32, #tpu.memory_space<hbm>> -> memref<1x16xf32, #tpu.memory_space<hbm>>
      %dma_wait3A_60 = tpu.memref_squeeze %dma_wait3A_59 : memref<1x16xf32, #tpu.memory_space<hbm>> -> memref<16xf32, #tpu.memory_space<hbm>>
      %dma_wait3A_61 = arith.constant 0 : i32
      %dma_wait3A_62 = tpu.memref_slice %arg4[%run_scoped3A, %dma_wait3A_61] : memref<64x1000xf32, #tpu.memory_space<vmem>> -> memref<1x16xf32, #tpu.memory_space<vmem>>
      %dma_wait3A_63 = tpu.memref_squeeze %dma_wait3A_62 : memref<1x16xf32, #tpu.memory_space<vmem>> -> memref<16xf32, #tpu.memory_space<vmem>>
      tpu.wait_dma2 semaphore(%run_scoped3A_39 : memref<!tpu.dma_semaphore, #tpu.memory_space<semaphore_mem>>) src(%dma_wait3A_63 : memref<16xf32, #tpu.memory_space<vmem>>) dst(%dma_wait3A_60 : memref<16xf32, #tpu.memory_space<hbm>>)
      tpu.yield
    }) : () -> ()
    return
  }
}

module attributes {stable_mosaic.version = 14 : i64} {
  func.func @_tc_probe(%arg0: i32, %arg1: memref<2048x1000xf32, #tpu.memory_space<vmem>>, %arg2: memref<1x1xf32, #tpu.memory_space<vmem>>) attributes {dimension_semantics = [#tpu.dimension_semantics<arbitrary>], iteration_bounds = array<i64: 5>, scalar_prefetch = 0 : i64, scratch_operands = 0 : i64, tpu.core_type = #tpu.core_type<tc>, window_params = [{transform_indices = @transform_0, window_bounds = array<i64: 2048, 1000>}, {pipeline_mode = #tpu.pipeline_mode<synchronous>, transform_indices = @transform_1, window_bounds = array<i64: 1, 1>}]} {
    %eq3A = arith.constant 0 : i32
    %eq3A_0 = arith.cmpi eq, %arg0, %eq3A : i32
    %convert_element_type3A = arith.extui %eq3A_0 : i1 to i32
    %cond3A = arith.constant 0 : i32
    %cond3A_1 = arith.cmpi ne, %convert_element_type3A, %cond3A : i32
    scf.if %cond3A_1 {
      %broadcast_in_dim3A = arith.constant 0.000000e+00 : f32
      %broadcast_in_dim3A_13 = vector.broadcast %broadcast_in_dim3A : f32 to vector<1x1xf32>
      %swap3A_14 = arith.constant 0 : index
      %swap3A_15 = arith.constant 0 : index
      %swap3A_16 = vector.load %arg2[%swap3A_14, %swap3A_15] : memref<1x1xf32, #tpu.memory_space<vmem>>, vector<1x1xf32>
      tpu.vector_store %arg2[%swap3A_14, %swap3A_15], %broadcast_in_dim3A_13 {strides = array<i32>} : memref<1x1xf32, #tpu.memory_space<vmem>>, vector<1x1xf32>,
    } else {
    }
    %get3A = arith.constant 0 : index
    %get3A_2 = arith.constant 0 : index
    %get3A_3 = vector.load %arg2[%get3A, %get3A_2] : memref<1x1xf32, #tpu.memory_space<vmem>>, vector<1x1xf32>
    %get3A_4 = arith.constant 0 : index
    %get3A_5 = arith.constant 0 : index
    %get3A_6 = vector.load %arg1[%get3A_4, %get3A_5] : memref<2048x1000xf32, #tpu.memory_space<vmem>>, vector<2048x1000xf32>
    %reduce_sum3A = vector.shape_cast %get3A_6 : vector<2048x1000xf32> to vector<1x2048x1000xf32>
    %reduce_sum3A_7 = arith.constant dense<0.000000e+00> : vector<1xf32>
    %reduce_sum3A_8 = vector.multi_reduction <add>, %reduce_sum3A, %reduce_sum3A_7 [1, 2] : vector<1x2048x1000xf32> to vector<1xf32>
    %reduce_sum3A_9 = vector.shape_cast %reduce_sum3A_8 : vector<1xf32> to vector<1x1x1xf32>
    %reduce_sum3A_10 = vector.extract %reduce_sum3A_9[0, 0, 0] : f32 from vector<1x1x1xf32>
    %reshape3A = vector.broadcast %reduce_sum3A_10 : f32 to vector<1x1xf32>
    %add3A = arith.addf %get3A_3, %reshape3A : vector<1x1xf32>
    %swap3A = arith.constant 0 : index
    %swap3A_11 = arith.constant 0 : index
    %swap3A_12 = vector.load %arg2[%swap3A, %swap3A_11] : memref<1x1xf32, #tpu.memory_space<vmem>>, vector<1x1xf32>
    tpu.vector_store %arg2[%swap3A, %swap3A_11], %add3A {strides = array<i32>} : memref<1x1xf32, #tpu.memory_space<vmem>>, vector<1x1xf32>,
    return
  }
  func.func @transform_0(%arg0: i32) -> (i32, i32) {
    %c0_i32 = arith.constant 0 : i32
    %c0_i32_0 = arith.constant 0 : i32
    return %arg0, %c0_i32 : i32, i32
  }
  func.func @transform_1(%arg0: i32) -> (i32, i32) {
    %c0_i32 = arith.constant 0 : i32
    %c0_i32_0 = arith.constant 0 : i32
    %c0_i32_1 = arith.constant 0 : i32
    return %c0_i32, %c0_i32_0 : i32, i32
  }
}

</mosaic_0001>

<sc_bundles>
// kernel: kernel.4.cloned.1.call-start
scs
__scs_entry_jumppad:
0x0: {  	(pc) =	sbr.rel $0x88, $3  }
0x1: {  	(tag) =	ssettag $0x0;
	lr =	simm.s32 $0x1  }
0x2: {  	[smem:$0x3F9F] =	sst lr;
	_ =	strace $0xD0000000  }
0x3: {  	_ = 	snop  }
0x4: {  	_ = 	snop  }
0x5: {  	_ = 	snop  }
0x6: {  	_ = 	snop  }
0x7: {  	_ = 	snop  }
__scs_overlays_trampoline_lowered:
0x8: {  	[smem:$0x3FAE] =	sst s0  }
0x9: {  	[smem:$0x3FAF] =	sst s1  }
0xa: {  	[smem:$0x3FB0] =	sst s2  }
0xb: {  	[smem:$0x3FB1] =	sst s3  }
0xc: {  	[smem:$0x3FB2] =	sst s4  }
0xd: {  	[smem:$0x3FB3] =	sst s5  }
0xe: {  	[smem:$0x3FB4] =	sst s6  }
0xf: {  	[smem:$0x3FB5] =	sst s7  }
0x10: {  	[smem:$0x3FB6] =	sst s8  }
0x11: {  	[smem:$0x3FB7] =	sst s9;
	s0 =	simm.s32 @!p0 $0x0  }
0x12: {  	s1 =	sld [smem:$0x3F9D];
	s0 =	simm.s32 @p0 $0x1  }
0x13: {  	[smem:$0x3FB8] =	sst s0;
	s0 =	simm.s32 @!p1 $0x0  }
0x14: {  	s2 =	sld [smem:$0x3F9C];
	s0 =	simm.s32 @p1 $0x1  }
0x15: {  	[smem:$0x3FB9] =	sst s0;
	s0 =	simm.s32 @!p2 $0x0  }
0x16: {  	s3 =	sld [smem:$0x3FDB];
	s0 =	simm.s32 @p2 $0x1  }
0x17: {  	s4 =	simm.s32 $0x1BF5;
	[smem:$0x3FBB] =	sst s0  }
0x18: {  	s0 =	sld [smem:$0x3F9E];
	_ =	swait.ge [sflag:s4], $0x0  }
0x19: {  	s7 =	sld [smem:$0x3F9F]  }
0x1a: {  	s8 =	sadd.s32 $0xFFFFE003, lr  }
0x1b: {  	s9 =	sadd.s32 $0xFFFFFEF7, lr;
	s5 =	simm.s32 $0xFFFFFFFF;
	p2 =	slt.u32 s8, $0xFFFFF086  }
0x1c: {  	p1 =	slt.u32 s9, $0xF7A;
	s5 =	simm.s32 @!p2 $0x0  }
0x1d: {  	s5 =	simm.s32 @p1 $0x1;
	p0 =	seq.s32 s7, s2  }
0x1e: {  	s7 =	smul.u32 @!p0 $0xF7A, s2;
	p2 =	seq.s32 @!p0 s5, $0x0  }
0x1f: {  	s9 =	smul.u32 $0xF7A, s1;
	s8 =	simm.s32 @!p0 $0x1BF5;
	p2 =	por !p2, p0  }
0x20: {  	[sflag:s8] =	ssyncset.s32 @!p0 $0xFFFFF086;
	s6 =	sadd.s32 @!p0 s3, s7;
	s7 =	simm.s32 @!p0 $0x108  }
0x21: {  	s3 =	sadd.s32 s3, s9;
	s6 =	sadd.s32 @!p0 $0x88, s6;
	s7 =	simm.s32 @p2 $0x1082  }
0x22: {  	[simem:s7], [sflag:s8] =	dma.local @!p0 [hbm:s6], $0xF7A  }
0x23: {  	s9 =	sor.u32 $0xD0000000, s2;
	s6 =	simm.s32 $0x108;
	_ =	swait.ge @!p0 [sflag:s8], $0x0  }
0x24: {  	s3 =	sadd.s32 $0x88, s3;
	s6 =	simm.s32 @!p1 $0x1082;
	[sflag:s4] =	ssyncset.s32 $0xFFFFF086  }
0x25: {  	[simem:s6], [sflag:s4] =	dma.local [hbm:s3], $0xF7A  }
0x26: {  	[smem:$0x3F9F] =	sst s1;
	(tag) =	ssettag s2;
	_ =	strace s9  }
0x27: {  	s1 =	sld [smem:$0x3FAF]  }
0x28: {  	s2 =	sld [smem:$0x3FB0]  }
0x29: {  	s4 =	sld [smem:$0x3FB2]  }
0x2a: {  	p0 =	seq.s32 s5, $0x0;
	s5 =	sld [smem:$0x3FB3]  }
0x2b: {  	s6 =	sld [smem:$0x3FB4]  }
0x2c: {  	s7 =	sld [smem:$0x3FB5]  }
0x2d: {  	s3 =	simm.s32 $0x108;
	s8 =	sld [smem:$0x3FB6]  }
0x2e: {  	s3 =	simm.s32 @!p0 $0x1082;
	s9 =	sld [smem:$0x3FB7]  }
0x2f: {  	lr =	sadd.s32 s0, s3;
	s0 =	sld [smem:$0x3FAE]  }
0x30: {  	s3 =	sld [smem:$0x3FB1]  }
0x31: {  	[smem:$0x3FBA] =	sst s10  }
0x32: {  	s10 =	sld [smem:$0x3FB8];
	_ =	sdelay $0x3  }
0x33: {  	p0 =	seq.s32 s10, $0x1;
	s10 =	sld [smem:$0x3FBA];
	_ =	sdelay $0x3  }
0x34: {  	[smem:$0x3FBA] =	sst s10  }
0x35: {  	s10 =	sld [smem:$0x3FB9];
	_ =	sdelay $0x3  }
0x36: {  	p1 =	seq.s32 s10, $0x1;
	s10 =	sld [smem:$0x3FBA];
	_ =	sdelay $0x3  }
0x37: {  	[smem:$0x3FBA] =	sst s10  }
0x38: {  	s10 =	sld [smem:$0x3FBB]  }
0x39: {  	_ = 	snop;
	(pc) =	sbr.ind lr, $3  }
0x3a: {  	_ = 	snop  }
0x3b: {  	_ = 	snop  }
0x3c: {  	p2 =	seq.s32 s10, $0x1;
	s10 =	sld [smem:$0x3FBA]  }
0x3d: {  	_ =	shalt  }
0x3e: {  	_ =	shalt  }
0x3f: {  	_ =	shalt  }
0x40: {  	_ =	shalt  }
0x41: {  	_ =	shalt  }
0x42: {  	_ =	shalt  }
0x43: {  	_ =	shalt  }
0x44: {  	_ =	shalt  }
0x45: {  	_ =	shalt  }
0x46: {  	_ =	shalt  }
0x47: {  	_ =	shalt  }
0x48: {  	_ =	shalt  }
0x49: {  	_ =	shalt  }
0x4a: {  	_ =	shalt  }
0x4b: {  	_ =	shalt  }
0x4c: {  	_ =	shalt  }
0x4d: {  	_ =	shalt  }
0x4e: {  	_ =	shalt  }
0x4f: {  	_ =	shalt  }
0x50: {  	_ =	shalt  }
0x51: {  	_ =	shalt  }
0x52: {  	_ =	shalt  }
0x53: {  	_ =	shalt  }
0x54: {  	_ =	shalt  }
0x55: {  	_ =	shalt  }
0x56: {  	_ =	shalt  }
0x57: {  	_ =	shalt  }
0x58: {  	_ =	shalt  }
0x59: {  	_ =	shalt  }
0x5a: {  	_ =	shalt  }
0x5b: {  	_ =	shalt  }
0x5c: {  	_ =	shalt  }
0x5d: {  	_ =	shalt  }
0x5e: {  	_ =	shalt  }
0x5f: {  	_ =	shalt  }
0x60: {  	_ =	shalt  }
0x61: {  	_ =	shalt  }
0x62: {  	_ =	shalt  }
0x63: {  	_ =	shalt  }
0x64: {  	_ =	shalt  }
0x65: {  	_ =	shalt  }
0x66: {  	_ =	shalt  }
0x67: {  	_ =	shalt  }
0x68: {  	_ =	shalt  }
0x69: {  	_ =	shalt  }
0x6a: {  	_ =	shalt  }
0x6b: {  	_ =	shalt  }
0x6c: {  	_ =	shalt  }
0x6d: {  	_ =	shalt  }
0x6e: {  	_ =	shalt  }
0x6f: {  	_ =	shalt  }
0x70: {  	_ =	shalt  }
0x71: {  	_ =	shalt  }
0x72: {  	_ =	shalt  }
0x73: {  	_ =	shalt  }
0x74: {  	_ =	shalt  }
0x75: {  	_ =	shalt  }
0x76: {  	_ =	shalt  }
0x77: {  	_ =	shalt  }
0x78: {  	_ =	shalt  }
0x79: {  	_ =	shalt  }
0x7a: {  	_ =	shalt  }
0x7b: {  	_ =	shalt  }
0x7c: {  	_ =	shalt  }
0x7d: {  	_ =	shalt  }
0x7e: {  	_ =	shalt  }
0x7f: {  	_ =	shalt  }
0x80: {  	_ =	shalt  }
0x81: {  	_ =	shalt  }
0x82: {  	_ =	shalt  }
0x83: {  	_ =	shalt  }
0x84: {  	_ =	shalt  }
0x85: {  	_ =	shalt  }
0x86: {  	_ =	shalt  }
0x87: {  	_ =	shalt  }
.Lfunc_end0:
.L_simem_size_0:
called_computation_lowered:
.L_overlay_start_0:
0x88: {  	s2 =	sld [smem:$0x3FD9]  }
0x89: {  	s3 =	sld [smem:$0x3FFE];
	_ =	sdelay $0x1  }
0x8a: {  	s1 =	srdreg.scid  }
0x8b: {  	s0 =	sand.u32 $0x1, s1  }
0x8c: {  	s16 =	sshll.u32 s0, $0xA;
	s2 =	sadd.s32 s3, s2  }
0x8d: {  	s2 =	sadd.s32 s2, s16  }
0x8e: {  	[smem:$0x3FC6] =	sst s2  }
0x8f: {  	_ = 	snop  }
0x90: {  	(tm) =	ssettm $0x1  }
0x91: {  	s17 =	sld [smem:$0x3FFB];
	_ =	sdelay $0x3  }
0x92: {  	_ =	strace s17  }
0x93: {  	s2 =	sld [smem:$0x3FFC];
	_ =	sdelay $0x3  }
0x94: {  	_ =	strace s2  }
0x95: {  	s2 =	sld [smem:$0x3FFD];
	_ =	sdelay $0x3  }
0x96: {  	_ =	strace s2  }
0x97: {  	_ =	strace $0x8FFFFFFF  }
0x98: {  	s18 =	sld [smem:$0x3FDB];
	_ =	sdelay $0x1  }
0x99: {  	s19 =	simm.s32 $_scs_section_size  }
0x9a: {  	s4 =	simm.s32 $_size__tile_overlayer_lowered;
	s5 =	simm.s32 $_tile_overlayer_lowered  }
0x9b: {  	s22 =	simm.s32 $0x1BFF;
	s21 =	sshll.u32 s5, $0x1;
	s2 =	sadd.s32 s19, s18  }
0x9c: {  	s6 =	simm.s32 $0x0;
	s20 =	sshll.u32 s4, $0x1;
	s4 =	sadd.s32 s21, s2  }
0x9d: {  	[timem:s6], [sflag:s22] =	dma.local [hbm:s4], s20  }
0x9e: {  	_ =	swait.ge [sflag:s22], s20  }
0x9f: {  	s3 =	ssub.s32 $0x0, s20;
	[sflag:s22] =	ssyncset.done $0x0  }
0xa0: {  	[sflag:s22] =	ssyncadd.s32 s3;
	_ =	sdelay $0x1  }
0xa1: {  	s23 =	simm.s32 $0x1B8B  }
0xa2: {  	_ =	swait.ge [sflag:s23], $0x1  }
0xa3: {  	[sflag:s23] =	ssyncset.done $0x0  }
0xa4: {  	s25 =	simm.s32 $0x1B8E;
	s24 =	sld [smem:$0x3FFE];
	[sflag:s23] =	ssyncadd.s32 $0xFFFFFFFF  }
0xa5: {  	s26 =	simm.s32 $execute0_lowered;
	[smem:$0x3FD2] =	sst s25  }
0xa6: {  	s4 =	sshll.u32 s26, $0x1;
	_ =	strace $0x80000046;
	[dreg:$0x1] =	wrdreg $0xFFFFFFFF  }
0xa7: {  	s28 =	simm.s32 $_size_execute0_lowered;
	s2 =	sadd.s32 s2, s4;
	[dreg:$0x0] =	wrdreg $0x0  }
0xa8: {  	s4 =	sshll.u32 s28, $0x1;
	[dreg:$0x2] =	wrdreg s2  }
0xa9: {  	[dreg:$0x3] =	wrdreg s4  }
0xaa: {  	[dreg:$0x4] =	wrdreg $0xC0  }
0xab: {  	_ =	task [dreg:s6], $0x5FFFF  }
0xac: {  	[dreg:$0x1] =	wrdreg $0xFFFFFFFF  }
0xad: {  	[dreg:$0x0] =	wrdreg $0x60  }
0xae: {  	[dreg:$0x2] =	wrdreg s24  }
0xaf: {  	[dreg:$0x3] =	wrdreg $0x9  }
0xb0: {  	_ =	task.clear_ibuf [dreg:s6], $0x4FFFF;
	_ =	strace $0x90000046  }
0xb1: {  	s29 =	simm.s32 $0x9;
	_ =	strace $0x80000048  }
0xb2: {  	_ =	swait.ge [sflag:s29], $0x1  }
0xb3: {  	[sflag:s29] =	ssyncadd.s32 $0xFFFFFFFF  }
0xb4: {  	_ =	strace $0x90000048  }
0xb5: {  	_ =	sfence  }
0xb6: {  	s30 =	sld [smem:$0x0];
	_ =	sdelay $0x2  }
0xb7: {  	s31 =	sshll.u32 s1, $0xD;
	s1 =	sshrl.u32 s1, $0x2  }
0xb8: {  	s3 =	sand.u32 $0x4000, s31;
	s1 =	sadd.s32 s1, s30  }
0xb9: {  	s0 =	sor.u32 s3, s0;
	s1 =	sshll.u32 s1, $0x11  }
0xba: {  	s0 =	sor.u32 s1, s0  }
0xbb: {  	s0 =	sadd.s32 $0x8F2B, s0  }
0xbc: {  	[sflag:s0] =	ssyncadd.remote.s32 $0x1  }
0xbd: {  	_ =	sfence.sel $0xFFFF  }
0xbe: {  	[dreg:$0x0] =	wrdreg $0xFFFFFFFF;
	(pc) =	sbr.abs _section_cstart, $3  }
0xbf: {  	[dreg:$0x1] =	wrdreg $0xFFFFFFFF  }
0xc0: {  	_ =	task.clear_ibuf [dreg:s6], $0x2FFFF;
	_ =	strace $0x9FFFFFFF  }
0xc1: {  	(tm) =	ssettm $0x7FFFFFFF  }
tec
execute0_lowered:
.L_overlay_start_1:
0x0: {  	(tag) =	ssettag $0x1  }
0x1: {  	s1 =	srdreg.scid;
	s0 =	stileid.u32  }
0x2: {  	s9 =	sand.u32 $0x1, s1;
	s30 =	sshll.u32 s0, $0x1  }
0x3: {  	s10 =	sor.u32 s9, s30  }
0x4: {  	s3 =	smul.u32 $0x30000, s10;
	_ =	sdelay $0x1  }
0x5: {  	s11 =	rddreg [dreg:$0x0];
	s2 =	simm.s32 $0x0;
	s3 =	sshrl.u32 s3, $0x3  }
0x6: {  	[smem:$0x7FF] =	sst s2;
	s7 =	sadd.s32 s11, s3  }
0x7: {  	s1 =	rddreg [dreg:$0x1];
	_ =	strace $0x80000047;
	s3 =	sadd.s32 $0x140000, s7  }
0x8: {  	[tilespmem:s2], [sflag:$0x1] =	stream.linear.gather [hbm4b:s3+s2], $0x10000, $0x38;
	v63 =	vld [tilespmem:$0x0]  }
0x9: {  	s5 =	simm.s32 $0x10000;
	s6 =	simm.s32 $0x1;
	s4 =	sadd.s32 $0x142000, s7  }
0xa: {  	[tilespmem:s5], [sflag:$0x2] =	stream.linear.gather [hbm4b:s4+s2], $0x10000, $0x38;
	v63 =	vld [tilespmem:$0x0]  }
0xb: {  	_ =	swait.ge [sflag:s6], $0x10000  }
0xc: {  	[sflag:s6] =	ssyncset.done $0x0  }
0xd: {  	s8 =	simm.s32 $0x2;
	s7 =	sadd.s32 $0x144000, s7;
	[sflag:s6] =	ssyncadd.s32 $0xFFFF0000  }
0xe: {  	[tilespmem:s2], [sflag:$0x1] =	stream.linear.gather [hbm4b:s7+s2], $0x10000, $0x38;
	v63 =	vld [tilespmem:$0x0]  }
0xf: {  	_ =	swait.ge [sflag:s8], $0x10000  }
0x10: {  	s9 =	ssub.s32 $0x2, s9;
	s10 =	sshll.u32 s10, $0x4;
	[sflag:s8] =	ssyncset.done $0x0  }
0x11: {  	s31 =	sshrl.u32 s9, $0x1;
	s10 =	sadd.s32 s10, s11;
	[sflag:s8] =	ssyncadd.s32 $0xFFFF0000  }
0x12: {  	s12 =	ssub.s32 s9, s31;
	s9 =	sadd.s32 $0x200000, s10;
	_ =	swait.ge [sflag:s6], $0x10000  }
0x13: {  	s10 =	simm.s32 $0x80;
	s13 =	smax.u32 s12, $0x1;
	[sflag:s6] =	ssyncset.done $0x0  }
0x14: {  	s11 =	simm.s32 $0x400;
	p0 =	sne.s32 s13, $0x1;
	[sflag:s6] =	ssyncadd.s32 $0xFFFF0000  }
0x15: {  	[hbm4b:s9+s10] =	stream.strided.scatter [tilespmem:s2], [sflag:$0x3], $0x0, s11, s10, $0x38;
	v63 =	vld [tilespmem:$0x0]  }
.Ltmp0:
0x16: {  	_ = 	snop;
	(pc) =	sbr.rel @!p0 .LBB2_2-.Ltmp0, $4  }
0x17: {  	s12 =	simm.s32 $0x3  }
0x18: {  	[hbm4b:s9+s2] =	stream.linear.scatter [tilespmem:s2], [sflag:$0x3], $0x10, $0x38;
	v63 =	vld [tilespmem:$0x0]  }
0x19: {  	_ =	swait.ge [sflag:s12], $0x10  }
0x1a: {  	s13 =	sadd.s32 $0xFFFFFFFF, s13;
	[sflag:s12] =	ssyncset.done $0x0  }
.LBB2_1:
0x1b: {  	p0 =	sne.s32 s13, $0x1;
	s13 =	sadd.s32 $0xFFFFFFFF, s13;
	[sflag:s12] =	ssyncadd.s32 $0xFFFFFFF0  }
0x1c: {  	_ = 	snop  }
0x1d: {  	[tilespmem:s2], [sflag:$0x1] =	stream.linear.gather [hbm4b:s3+s2], $0x10000, $0x38;
	v63 =	vld [tilespmem:$0x0]  }
0x1e: {  	_ = 	snop  }
0x1f: {  	[tilespmem:s5], [sflag:$0x2] =	stream.linear.gather [hbm4b:s4+s2], $0x10000, $0x38;
	v63 =	vld [tilespmem:$0x0]  }
0x20: {  	_ =	swait.ge [sflag:s6], $0x10000  }
0x21: {  	[sflag:s6] =	ssyncset.done $0x0  }
0x22: {  	[sflag:s6] =	ssyncadd.s32 $0xFFFF0000  }
0x23: {  	[tilespmem:s2], [sflag:$0x1] =	stream.linear.gather [hbm4b:s7+s2], $0x10000, $0x38;
	v63 =	vld [tilespmem:$0x0]  }
0x24: {  	_ =	swait.ge [sflag:s8], $0x10000  }
0x25: {  	[sflag:s8] =	ssyncset.done $0x0  }
0x26: {  	[sflag:s8] =	ssyncadd.s32 $0xFFFF0000  }
0x27: {  	_ =	swait.ge [sflag:s6], $0x10000  }
0x28: {  	[sflag:s6] =	ssyncset.done $0x0  }
0x29: {  	[sflag:s6] =	ssyncadd.s32 $0xFFFF0000  }
0x2a: {  	[hbm4b:s9+s10] =	stream.strided.scatter [tilespmem:s2], [sflag:$0x3], $0x0, s11, s10, $0x38;
	v63 =	vld [tilespmem:$0x0]  }
.Ltmp1:
0x2b: {  	_ = 	snop;
	(pc) =	sbr.rel @p0 .LBB2_1-.Ltmp1, $4  }
0x2c: {  	_ = 	snop  }
0x2d: {  	[hbm4b:s9+s2] =	stream.linear.scatter [tilespmem:s2], [sflag:$0x3], $0x10, $0x38;
	v63 =	vld [tilespmem:$0x0]  }
0x2e: {  	_ =	swait.ge [sflag:s12], $0x10  }
0x2f: {  	[sflag:s12] =	ssyncset.done $0x0  }
.LBB2_2:
0x30: {  	[sflag:s12] =	ssyncadd.s32 $0xFFFFFFF0  }
0x31: {  	_ =	sfence.sel $0x180000  }
0x32: {  	[bflag:$0x0] =	sbarrier.arrive $0xFFFF  }
0x33: {  	p0 =	sne.s32 s0, $0x0;
	_ =	strace $0x90000047  }
0x34: {  	s0 =	sadd.s32 @!p0 $0x100000, s1;
	[bflag:$0x2] =	sbarrier.arrive $0xFFFF  }
0x35: {  	[sflag:s0] =	ssyncadd.tile.s32 @!p0 $0x1;
	_ =	shalt  }
.Lfunc_end2:
_tile_overlayer_lowered:
.L_overlay_start_2:
0x36: {  	(tag) =	ssettag $0x2  }
0x37: {  	s0 =	rddreg [dreg:$0x0];
	s2 =	stileid.u32  }
0x38: {  	s1 =	rddreg [dreg:$0x1];
	p0 =	sne.s32 s2, $0x0  }
0x39: {  	s3 =	rddreg [dreg:$0x2];
	[bflag:$0x3] =	sbarrier.arrive $0xFFFF;
	s2 =	simm.s32 @!p0 $0x1C03  }
0x3a: {  	[timem:s3], [sflag:s2] =	dma.local @!p0 [hbm:s0], s1  }
0x3b: {  	s0 =	simm.s32 @!p0 $0x3  }
0x3c: {  	_ =	swait.ge @!p0 [sflag:s0], s1  }
0x3d: {  	s1 =	ssub.s32 @!p0 $0x0, s1;
	[sflag:s0] =	ssyncset.done @!p0 $0x0  }
0x3e: {  	[sflag:s0] =	ssyncadd.s32 @!p0 s1  }
0x3f: {  	[bflag:$0x3] =	sbarrier.arrive $0xFFFF  }
0x40: {  	_ =	shalt  }

</sc_bundles>
